<compile_context>
chip_gen: v7x
topology: tpu7x:2x2x1
jax: 0.10.2.dev20260603
libtpu: 0.0.44.dev20260713+nightly
codegen_flags: <defaults>
</compile_context>

<pallas_src>
import functools

import jax
import jax.numpy as jnp
from jax.experimental import pallas as pl
from jax.experimental.pallas import tpu as pltpu
from jax.experimental.pallas import tpu_sc as plsc

_N = 32

_mesh = plsc.ScalarSubcoreMesh(axis_name="c", num_cores=1)


@functools.partial(
    pl.kernel,
    mesh=_mesh,
    out_type=jax.ShapeDtypeStruct((1,), jnp.float32),
    compiler_params=pltpu.CompilerParams(needs_layout_passes=False),
    scratch_types=[
        pltpu.SMEM((2 * _N,), jnp.int32),
        pltpu.SMEM((1,), jnp.float32),
    ],
)
def _bit_compare_scs(ab_hbm, out_hbm, ab_s, r_s):
    pltpu.sync_copy(ab_hbm, ab_s)
    less = jnp.int32(0)
    eq = jnp.int32(1)
    for i in range(_N):
        ai = ab_s[i]
        bi = ab_s[_N + i]
        less = less | (eq & (1 - ai) & bi)
        eq = eq & (1 - ((ai - bi) * (ai - bi)))
    r_s[0] = less.astype(jnp.float32)
    pltpu.sync_copy(r_s, out_hbm)


@jax.jit
def kernel(a, b):
    ab = jnp.concatenate([a, b])
    out = _bit_compare_scs(ab)
    return out[0]

# --- scband reference (transcript-rebuilt; emitter-appended) ---
"""Pipeline reference for scband-bit-level-comparator-88665304858915 (READ-ONLY COPY).

The authoritative reference and input builder live on the scoring server;
editing this copy changes nothing except your own understanding.
"""

import jax, jax.numpy as jnp
import numpy as np

N_BITS = 32

def setup_inputs(seed: int = 0) -> dict:
    key = jax.random.key(seed)
    k1, k2 = jax.random.split(key)
    a = jax.random.randint(k1, (N_BITS,), 0, 2).astype(jnp.int32)
    b = jax.random.randint(k2, (N_BITS,), 0, 2).astype(jnp.int32)
    return {"a": a, "b": b}


def reference(a, b):
    # Faithful translation of the *trained* BitLevelComparator.
    # After train_all():
    #   less_at RAM  implements per-bit a[i] < b[i]  -> (1 - a) * b
    #   equal_at RAM implements per-bit a[i] == b[i] -> 1 - (a - b)^2 (for bits)
    #   prefix_equal[i] RAM implements AND of equal_bits[:i] -> cumulative product
    # forward: scan MSB->LSB; first position where prefix is all-equal AND less fires -> 1, else 0.
    af = a.astype(jnp.float32)
    bf = b.astype(jnp.float32)
    less_bits = (1.0 - af) * bf                 # per-bit less-than lookup
    equal_bits = 1.0 - jnp.square(af - bf)      # per-bit equality lookup
    cum = jnp.cumprod(equal_bits)               # cumulative AND over prefix
    prefix = jnp.concatenate([jnp.ones((1,), jnp.float32), cum[:-1]])  # prefix[0] = 1
    trigger = prefix * less_bits                # at most one position fires
    result = jnp.clip(jnp.sum(trigger), 0.0, 1.0)
    return result

if __name__ == "__main__":
    import jax
    _d = setup_inputs()
    print(jax.jit(kernel)(*tuple(_d.values())))

</pallas_src>

<mosaic_0001>
#map = affine_map<(d0) -> (0)>
module attributes {stable_mosaic.version = 14 : i64} {
  func.func @_bit_compare_scs(%arg0: i32, %arg1: memref<64xi32, #tpu.memory_space<hbm>>, %arg2: memref<1xf32, #tpu.memory_space<hbm>>, %arg3: memref<64xi32, #tpu.memory_space<smem>>, %arg4: memref<1xf32, #tpu.memory_space<smem>>) attributes {dimension_semantics = [#tpu.dimension_semantics<core_parallel>], iteration_bounds = array<i64: 1>, scalar_prefetch = 0 : i64, scratch_operands = 2 : i64, tpu.core_type = #tpu.core_type<sc_scalar_subcore>, window_params = [{transform_indices = #map}, {transform_indices = #map}]} {
    "tpu.region"() ({
      %run_scoped3A = tpu.sem_alloc : memref<!tpu.dma_semaphore, #tpu.memory_space<semaphore_mem>>
      tpu.enqueue_dma source(%arg1 : memref<64xi32, #tpu.memory_space<hbm>>) target(%arg3 : memref<64xi32, #tpu.memory_space<smem>>) target_semaphore(%run_scoped3A : memref<!tpu.dma_semaphore, #tpu.memory_space<semaphore_mem>>)
      tpu.wait_dma2 semaphore(%run_scoped3A : memref<!tpu.dma_semaphore, #tpu.memory_space<semaphore_mem>>) src(%arg1 : memref<64xi32, #tpu.memory_space<hbm>>) dst(%arg3 : memref<64xi32, #tpu.memory_space<smem>>)
      tpu.yield
    }) : () -> ()
    %get3A = arith.constant 0 : i32
    %get3A_0 = arith.index_cast %get3A : i32 to index
    %get3A_1 = memref.load %arg3[%get3A_0] : memref<64xi32, #tpu.memory_space<smem>>
    %get3A_2 = arith.constant 32 : i32
    %get3A_3 = arith.index_cast %get3A_2 : i32 to index
    %get3A_4 = memref.load %arg3[%get3A_3] : memref<64xi32, #tpu.memory_space<smem>>
    %sub3A = arith.constant 1 : i32
    %sub3A_5 = arith.subi %sub3A, %get3A_1 : i32
    %and3A = arith.constant 1 : i32
    %and3A_6 = arith.andi %and3A, %sub3A_5 : i32
    %and3A_7 = arith.andi %and3A_6, %get3A_4 : i32
    %or3A = arith.constant 0 : i32
    %or3A_8 = arith.ori %or3A, %and3A_7 : i32
    %sub3A_9 = arith.subi %get3A_1, %get3A_4 : i32
    %sub3A_10 = arith.subi %get3A_1, %get3A_4 : i32
    %mul3A = arith.muli %sub3A_9, %sub3A_10 : i32
    %sub3A_11 = arith.constant 1 : i32
    %sub3A_12 = arith.subi %sub3A_11, %mul3A : i32
    %and3A_13 = arith.constant 1 : i32
    %and3A_14 = arith.andi %and3A_13, %sub3A_12 : i32
    %get3A_15 = arith.constant 1 : i32
    %get3A_16 = arith.index_cast %get3A_15 : i32 to index
    %get3A_17 = memref.load %arg3[%get3A_16] : memref<64xi32, #tpu.memory_space<smem>>
    %get3A_18 = arith.constant 33 : i32
    %get3A_19 = arith.index_cast %get3A_18 : i32 to index
    %get3A_20 = memref.load %arg3[%get3A_19] : memref<64xi32, #tpu.memory_space<smem>>
    %sub3A_21 = arith.constant 1 : i32
    %sub3A_22 = arith.subi %sub3A_21, %get3A_17 : i32
    %and3A_23 = arith.andi %and3A_14, %sub3A_22 : i32
    %and3A_24 = arith.andi %and3A_23, %get3A_20 : i32
    %or3A_25 = arith.ori %or3A_8, %and3A_24 : i32
    %sub3A_26 = arith.subi %get3A_17, %get3A_20 : i32
    %sub3A_27 = arith.subi %get3A_17, %get3A_20 : i32
    %mul3A_28 = arith.muli %sub3A_26, %sub3A_27 : i32
    %sub3A_29 = arith.constant 1 : i32
    %sub3A_30 = arith.subi %sub3A_29, %mul3A_28 : i32
    %and3A_31 = arith.andi %and3A_14, %sub3A_30 : i32
    %get3A_32 = arith.constant 2 : i32
    %get3A_33 = arith.index_cast %get3A_32 : i32 to index
    %get3A_34 = memref.load %arg3[%get3A_33] : memref<64xi32, #tpu.memory_space<smem>>
    %get3A_35 = arith.constant 34 : i32
    %get3A_36 = arith.index_cast %get3A_35 : i32 to index
    %get3A_37 = memref.load %arg3[%get3A_36] : memref<64xi32, #tpu.memory_space<smem>>
    %sub3A_38 = arith.constant 1 : i32
    %sub3A_39 = arith.subi %sub3A_38, %get3A_34 : i32
    %and3A_40 = arith.andi %and3A_31, %sub3A_39 : i32
    %and3A_41 = arith.andi %and3A_40, %get3A_37 : i32
    %or3A_42 = arith.ori %or3A_25, %and3A_41 : i32
    %sub3A_43 = arith.subi %get3A_34, %get3A_37 : i32
    %sub3A_44 = arith.subi %get3A_34, %get3A_37 : i32
    %mul3A_45 = arith.muli %sub3A_43, %sub3A_44 : i32
    %sub3A_46 = arith.constant 1 : i32
    %sub3A_47 = arith.subi %sub3A_46, %mul3A_45 : i32
    %and3A_48 = arith.andi %and3A_31, %sub3A_47 : i32
    %get3A_49 = arith.constant 3 : i32
    %get3A_50 = arith.index_cast %get3A_49 : i32 to index
    %get3A_51 = memref.load %arg3[%get3A_50] : memref<64xi32, #tpu.memory_space<smem>>
    %get3A_52 = arith.constant 35 : i32
    %get3A_53 = arith.index_cast %get3A_52 : i32 to index
    %get3A_54 = memref.load %arg3[%get3A_53] : memref<64xi32, #tpu.memory_space<smem>>
    %sub3A_55 = arith.constant 1 : i32
    %sub3A_56 = arith.subi %sub3A_55, %get3A_51 : i32
    %and3A_57 = arith.andi %and3A_48, %sub3A_56 : i32
    %and3A_58 = arith.andi %and3A_57, %get3A_54 : i32
    %or3A_59 = arith.ori %or3A_42, %and3A_58 : i32
    %sub3A_60 = arith.subi %get3A_51, %get3A_54 : i32
    %sub3A_61 = arith.subi %get3A_51, %get3A_54 : i32
    %mul3A_62 = arith.muli %sub3A_60, %sub3A_61 : i32
    %sub3A_63 = arith.constant 1 : i32
    %sub3A_64 = arith.subi %sub3A_63, %mul3A_62 : i32
    %and3A_65 = arith.andi %and3A_48, %sub3A_64 : i32
    %get3A_66 = arith.constant 4 : i32
    %get3A_67 = arith.index_cast %get3A_66 : i32 to index
    %get3A_68 = memref.load %arg3[%get3A_67] : memref<64xi32, #tpu.memory_space<smem>>
    %get3A_69 = arith.constant 36 : i32
    %get3A_70 = arith.index_cast %get3A_69 : i32 to index
    %get3A_71 = memref.load %arg3[%get3A_70] : memref<64xi32, #tpu.memory_space<smem>>
    %sub3A_72 = arith.constant 1 : i32
    %sub3A_73 = arith.subi %sub3A_72, %get3A_68 : i32
    %and3A_74 = arith.andi %and3A_65, %sub3A_73 : i32
    %and3A_75 = arith.andi %and3A_74, %get3A_71 : i32
    %or3A_76 = arith.ori %or3A_59, %and3A_75 : i32
    %sub3A_77 = arith.subi %get3A_68, %get3A_71 : i32
    %sub3A_78 = arith.subi %get3A_68, %get3A_71 : i32
    %mul3A_79 = arith.muli %sub3A_77, %sub3A_78 : i32
    %sub3A_80 = arith.constant 1 : i32
    %sub3A_81 = arith.subi %sub3A_80, %mul3A_79 : i32
    %and3A_82 = arith.andi %and3A_65, %sub3A_81 : i32
    %get3A_83 = arith.constant 5 : i32
    %get3A_84 = arith.index_cast %get3A_83 : i32 to index
    %get3A_85 = memref.load %arg3[%get3A_84] : memref<64xi32, #tpu.memory_space<smem>>
    %get3A_86 = arith.constant 37 : i32
    %get3A_87 = arith.index_cast %get3A_86 : i32 to index
    %get3A_88 = memref.load %arg3[%get3A_87] : memref<64xi32, #tpu.memory_space<smem>>
    %sub3A_89 = arith.constant 1 : i32
    %sub3A_90 = arith.subi %sub3A_89, %get3A_85 : i32
    %and3A_91 = arith.andi %and3A_82, %sub3A_90 : i32
    %and3A_92 = arith.andi %and3A_91, %get3A_88 : i32
    %or3A_93 = arith.ori %or3A_76, %and3A_92 : i32
    %sub3A_94 = arith.subi %get3A_85, %get3A_88 : i32
    %sub3A_95 = arith.subi %get3A_85, %get3A_88 : i32
    %mul3A_96 = arith.muli %sub3A_94, %sub3A_95 : i32
    %sub3A_97 = arith.constant 1 : i32
    %sub3A_98 = arith.subi %sub3A_97, %mul3A_96 : i32
    %and3A_99 = arith.andi %and3A_82, %sub3A_98 : i32
    %get3A_100 = arith.constant 6 : i32
    %get3A_101 = arith.index_cast %get3A_100 : i32 to index
    %get3A_102 = memref.load %arg3[%get3A_101] : memref<64xi32, #tpu.memory_space<smem>>
    %get3A_103 = arith.constant 38 : i32
    %get3A_104 = arith.index_cast %get3A_103 : i32 to index
    %get3A_105 = memref.load %arg3[%get3A_104] : memref<64xi32, #tpu.memory_space<smem>>
    %sub3A_106 = arith.constant 1 : i32
    %sub3A_107 = arith.subi %sub3A_106, %get3A_102 : i32
    %and3A_108 = arith.andi %and3A_99, %sub3A_107 : i32
    %and3A_109 = arith.andi %and3A_108, %get3A_105 : i32
    %or3A_110 = arith.ori %or3A_93, %and3A_109 : i32
    %sub3A_111 = arith.subi %get3A_102, %get3A_105 : i32
    %sub3A_112 = arith.subi %get3A_102, %get3A_105 : i32
    %mul3A_113 = arith.muli %sub3A_111, %sub3A_112 : i32
    %sub3A_114 = arith.constant 1 : i32
    %sub3A_115 = arith.subi %sub3A_114, %mul3A_113 : i32
    %and3A_116 = arith.andi %and3A_99, %sub3A_115 : i32
    %get3A_117 = arith.constant 7 : i32
    %get3A_118 = arith.index_cast %get3A_117 : i32 to index
    %get3A_119 = memref.load %arg3[%get3A_118] : memref<64xi32, #tpu.memory_space<smem>>
    %get3A_120 = arith.constant 39 : i32
    %get3A_121 = arith.index_cast %get3A_120 : i32 to index
    %get3A_122 = memref.load %arg3[%get3A_121] : memref<64xi32, #tpu.memory_space<smem>>
    %sub3A_123 = arith.constant 1 : i32
    %sub3A_124 = arith.subi %sub3A_123, %get3A_119 : i32
    %and3A_125 = arith.andi %and3A_116, %sub3A_124 : i32
    %and3A_126 = arith.andi %and3A_125, %get3A_122 : i32
    %or3A_127 = arith.ori %or3A_110, %and3A_126 : i32
    %sub3A_128 = arith.subi %get3A_119, %get3A_122 : i32
    %sub3A_129 = arith.subi %get3A_119, %get3A_122 : i32
    %mul3A_130 = arith.muli %sub3A_128, %sub3A_129 : i32
    %sub3A_131 = arith.constant 1 : i32
    %sub3A_132 = arith.subi %sub3A_131, %mul3A_130 : i32
    %and3A_133 = arith.andi %and3A_116, %sub3A_132 : i32
    %get3A_134 = arith.constant 8 : i32
    %get3A_135 = arith.index_cast %get3A_134 : i32 to index
    %get3A_136 = memref.load %arg3[%get3A_135] : memref<64xi32, #tpu.memory_space<smem>>
    %get3A_137 = arith.constant 40 : i32
    %get3A_138 = arith.index_cast %get3A_137 : i32 to index
    %get3A_139 = memref.load %arg3[%get3A_138] : memref<64xi32, #tpu.memory_space<smem>>
    %sub3A_140 = arith.constant 1 : i32
    %sub3A_141 = arith.subi %sub3A_140, %get3A_136 : i32
    %and3A_142 = arith.andi %and3A_133, %sub3A_141 : i32
    %and3A_143 = arith.andi %and3A_142, %get3A_139 : i32
    %or3A_144 = arith.ori %or3A_127, %and3A_143 : i32
    %sub3A_145 = arith.subi %get3A_136, %get3A_139 : i32
    %sub3A_146 = arith.subi %get3A_136, %get3A_139 : i32
    %mul3A_147 = arith.muli %sub3A_145, %sub3A_146 : i32
    %sub3A_148 = arith.constant 1 : i32
    %sub3A_149 = arith.subi %sub3A_148, %mul3A_147 : i32
    %and3A_150 = arith.andi %and3A_133, %sub3A_149 : i32
    %get3A_151 = arith.constant 9 : i32
    %get3A_152 = arith.index_cast %get3A_151 : i32 to index
    %get3A_153 = memref.load %arg3[%get3A_152] : memref<64xi32, #tpu.memory_space<smem>>
    %get3A_154 = arith.constant 41 : i32
    %get3A_155 = arith.index_cast %get3A_154 : i32 to index
    %get3A_156 = memref.load %arg3[%get3A_155] : memref<64xi32, #tpu.memory_space<smem>>
    %sub3A_157 = arith.constant 1 : i32
    %sub3A_158 = arith.subi %sub3A_157, %get3A_153 : i32
    %and3A_159 = arith.andi %and3A_150, %sub3A_158 : i32
    %and3A_160 = arith.andi %and3A_159, %get3A_156 : i32
    %or3A_161 = arith.ori %or3A_144, %and3A_160 : i32
    %sub3A_162 = arith.subi %get3A_153, %get3A_156 : i32
    %sub3A_163 = arith.subi %get3A_153, %get3A_156 : i32
    %mul3A_164 = arith.muli %sub3A_162, %sub3A_163 : i32
    %sub3A_165 = arith.constant 1 : i32
    %sub3A_166 = arith.subi %sub3A_165, %mul3A_164 : i32
    %and3A_167 = arith.andi %and3A_150, %sub3A_166 : i32
    %get3A_168 = arith.constant 10 : i32
    %get3A_169 = arith.index_cast %get3A_168 : i32 to index
    %get3A_170 = memref.load %arg3[%get3A_169] : memref<64xi32, #tpu.memory_space<smem>>
    %get3A_171 = arith.constant 42 : i32
    %get3A_172 = arith.index_cast %get3A_171 : i32 to index
    %get3A_173 = memref.load %arg3[%get3A_172] : memref<64xi32, #tpu.memory_space<smem>>
    %sub3A_174 = arith.constant 1 : i32
    %sub3A_175 = arith.subi %sub3A_174, %get3A_170 : i32
    %and3A_176 = arith.andi %and3A_167, %sub3A_175 : i32
    %and3A_177 = arith.andi %and3A_176, %get3A_173 : i32
    %or3A_178 = arith.ori %or3A_161, %and3A_177 : i32
    %sub3A_179 = arith.subi %get3A_170, %get3A_173 : i32
    %sub3A_180 = arith.subi %get3A_170, %get3A_173 : i32
    %mul3A_181 = arith.muli %sub3A_179, %sub3A_180 : i32
    %sub3A_182 = arith.constant 1 : i32
    %sub3A_183 = arith.subi %sub3A_182, %mul3A_181 : i32
    %and3A_184 = arith.andi %and3A_167, %sub3A_183 : i32
    %get3A_185 = arith.constant 11 : i32
    %get3A_186 = arith.index_cast %get3A_185 : i32 to index
    %get3A_187 = memref.load %arg3[%get3A_186] : memref<64xi32, #tpu.memory_space<smem>>
    %get3A_188 = arith.constant 43 : i32
    %get3A_189 = arith.index_cast %get3A_188 : i32 to index
    %get3A_190 = memref.load %arg3[%get3A_189] : memref<64xi32, #tpu.memory_space<smem>>
    %sub3A_191 = arith.constant 1 : i32
    %sub3A_192 = arith.subi %sub3A_191, %get3A_187 : i32
    %and3A_193 = arith.andi %and3A_184, %sub3A_192 : i32
    %and3A_194 = arith.andi %and3A_193, %get3A_190 : i32
    %or3A_195 = arith.ori %or3A_178, %and3A_194 : i32
    %sub3A_196 = arith.subi %get3A_187, %get3A_190 : i32
    %sub3A_197 = arith.subi %get3A_187, %get3A_190 : i32
    %mul3A_198 = arith.muli %sub3A_196, %sub3A_197 : i32
    %sub3A_199 = arith.constant 1 : i32
    %sub3A_200 = arith.subi %sub3A_199, %mul3A_198 : i32
    %and3A_201 = arith.andi %and3A_184, %sub3A_200 : i32
    %get3A_202 = arith.constant 12 : i32
    %get3A_203 = arith.index_cast %get3A_202 : i32 to index
    %get3A_204 = memref.load %arg3[%get3A_203] : memref<64xi32, #tpu.memory_space<smem>>
    %get3A_205 = arith.constant 44 : i32
    %get3A_206 = arith.index_cast %get3A_205 : i32 to index
    %get3A_207 = memref.load %arg3[%get3A_206] : memref<64xi32, #tpu.memory_space<smem>>
    %sub3A_208 = arith.constant 1 : i32
    %sub3A_209 = arith.subi %sub3A_208, %get3A_204 : i32
    %and3A_210 = arith.andi %and3A_201, %sub3A_209 : i32
    %and3A_211 = arith.andi %and3A_210, %get3A_207 : i32
    %or3A_212 = arith.ori %or3A_195, %and3A_211 : i32
    %sub3A_213 = arith.subi %get3A_204, %get3A_207 : i32
    %sub3A_214 = arith.subi %get3A_204, %get3A_207 : i32
    %mul3A_215 = arith.muli %sub3A_213, %sub3A_214 : i32
    %sub3A_216 = arith.constant 1 : i32
    %sub3A_217 = arith.subi %sub3A_216, %mul3A_215 : i32
    %and3A_218 = arith.andi %and3A_201, %sub3A_217 : i32
    %get3A_219 = arith.constant 13 : i32
    %get3A_220 = arith.index_cast %get3A_219 : i32 to index
    %get3A_221 = memref.load %arg3[%get3A_220] : memref<64xi32, #tpu.memory_space<smem>>
    %get3A_222 = arith.constant 45 : i32
    %get3A_223 = arith.index_cast %get3A_222 : i32 to index
    %get3A_224 = memref.load %arg3[%get3A_223] : memref<64xi32, #tpu.memory_space<smem>>
    %sub3A_225 = arith.constant 1 : i32
    %sub3A_226 = arith.subi %sub3A_225, %get3A_221 : i32
    %and3A_227 = arith.andi %and3A_218, %sub3A_226 : i32
    %and3A_228 = arith.andi %and3A_227, %get3A_224 : i32
    %or3A_229 = arith.ori %or3A_212, %and3A_228 : i32
    %sub3A_230 = arith.subi %get3A_221, %get3A_224 : i32
    %sub3A_231 = arith.subi %get3A_221, %get3A_224 : i32
    %mul3A_232 = arith.muli %sub3A_230, %sub3A_231 : i32
    %sub3A_233 = arith.constant 1 : i32
    %sub3A_234 = arith.subi %sub3A_233, %mul3A_232 : i32
    %and3A_235 = arith.andi %and3A_218, %sub3A_234 : i32
    %get3A_236 = arith.constant 14 : i32
    %get3A_237 = arith.index_cast %get3A_236 : i32 to index
    %get3A_238 = memref.load %arg3[%get3A_237] : memref<64xi32, #tpu.memory_space<smem>>
    %get3A_239 = arith.constant 46 : i32
    %get3A_240 = arith.index_cast %get3A_239 : i32 to index
    %get3A_241 = memref.load %arg3[%get3A_240] : memref<64xi32, #tpu.memory_space<smem>>
    %sub3A_242 = arith.constant 1 : i32
    %sub3A_243 = arith.subi %sub3A_242, %get3A_238 : i32
    %and3A_244 = arith.andi %and3A_235, %sub3A_243 : i32
    %and3A_245 = arith.andi %and3A_244, %get3A_241 : i32
    %or3A_246 = arith.ori %or3A_229, %and3A_245 : i32
    %sub3A_247 = arith.subi %get3A_238, %get3A_241 : i32
    %sub3A_248 = arith.subi %get3A_238, %get3A_241 : i32
    %mul3A_249 = arith.muli %sub3A_247, %sub3A_248 : i32
    %sub3A_250 = arith.constant 1 : i32
    %sub3A_251 = arith.subi %sub3A_250, %mul3A_249 : i32
    %and3A_252 = arith.andi %and3A_235, %sub3A_251 : i32
    %get3A_253 = arith.constant 15 : i32
    %get3A_254 = arith.index_cast %get3A_253 : i32 to index
    %get3A_255 = memref.load %arg3[%get3A_254] : memref<64xi32, #tpu.memory_space<smem>>
    %get3A_256 = arith.constant 47 : i32
    %get3A_257 = arith.index_cast %get3A_256 : i32 to index
    %get3A_258 = memref.load %arg3[%get3A_257] : memref<64xi32, #tpu.memory_space<smem>>
    %sub3A_259 = arith.constant 1 : i32
    %sub3A_260 = arith.subi %sub3A_259, %get3A_255 : i32
    %and3A_261 = arith.andi %and3A_252, %sub3A_260 : i32
    %and3A_262 = arith.andi %and3A_261, %get3A_258 : i32
    %or3A_263 = arith.ori %or3A_246, %and3A_262 : i32
    %sub3A_264 = arith.subi %get3A_255, %get3A_258 : i32
    %sub3A_265 = arith.subi %get3A_255, %get3A_258 : i32
    %mul3A_266 = arith.muli %sub3A_264, %sub3A_265 : i32
    %sub3A_267 = arith.constant 1 : i32
    %sub3A_268 = arith.subi %sub3A_267, %mul3A_266 : i32
    %and3A_269 = arith.andi %and3A_252, %sub3A_268 : i32
    %get3A_270 = arith.constant 16 : i32
    %get3A_271 = arith.index_cast %get3A_270 : i32 to index
    %get3A_272 = memref.load %arg3[%get3A_271] : memref<64xi32, #tpu.memory_space<smem>>
    %get3A_273 = arith.constant 48 : i32
    %get3A_274 = arith.index_cast %get3A_273 : i32 to index
    %get3A_275 = memref.load %arg3[%get3A_274] : memref<64xi32, #tpu.memory_space<smem>>
    %sub3A_276 = arith.constant 1 : i32
    %sub3A_277 = arith.subi %sub3A_276, %get3A_272 : i32
    %and3A_278 = arith.andi %and3A_269, %sub3A_277 : i32
    %and3A_279 = arith.andi %and3A_278, %get3A_275 : i32
    %or3A_280 = arith.ori %or3A_263, %and3A_279 : i32
    %sub3A_281 = arith.subi %get3A_272, %get3A_275 : i32
    %sub3A_282 = arith.subi %get3A_272, %get3A_275 : i32
    %mul3A_283 = arith.muli %sub3A_281, %sub3A_282 : i32
    %sub3A_284 = arith.constant 1 : i32
    %sub3A_285 = arith.subi %sub3A_284, %mul3A_283 : i32
    %and3A_286 = arith.andi %and3A_269, %sub3A_285 : i32
    %get3A_287 = arith.constant 17 : i32
    %get3A_288 = arith.index_cast %get3A_287 : i32 to index
    %get3A_289 = memref.load %arg3[%get3A_288] : memref<64xi32, #tpu.memory_space<smem>>
    %get3A_290 = arith.constant 49 : i32
    %get3A_291 = arith.index_cast %get3A_290 : i32 to index
    %get3A_292 = memref.load %arg3[%get3A_291] : memref<64xi32, #tpu.memory_space<smem>>
    %sub3A_293 = arith.constant 1 : i32
    %sub3A_294 = arith.subi %sub3A_293, %get3A_289 : i32
    %and3A_295 = arith.andi %and3A_286, %sub3A_294 : i32
    %and3A_296 = arith.andi %and3A_295, %get3A_292 : i32
    %or3A_297 = arith.ori %or3A_280, %and3A_296 : i32
    %sub3A_298 = arith.subi %get3A_289, %get3A_292 : i32
    %sub3A_299 = arith.subi %get3A_289, %get3A_292 : i32
    %mul3A_300 = arith.muli %sub3A_298, %sub3A_299 : i32
    %sub3A_301 = arith.constant 1 : i32
    %sub3A_302 = arith.subi %sub3A_301, %mul3A_300 : i32
    %and3A_303 = arith.andi %and3A_286, %sub3A_302 : i32
    %get3A_304 = arith.constant 18 : i32
    %get3A_305 = arith.index_cast %get3A_304 : i32 to index
    %get3A_306 = memref.load %arg3[%get3A_305] : memref<64xi32, #tpu.memory_space<smem>>
    %get3A_307 = arith.constant 50 : i32
    %get3A_308 = arith.index_cast %get3A_307 : i32 to index
    %get3A_309 = memref.load %arg3[%get3A_308] : memref<64xi32, #tpu.memory_space<smem>>
    %sub3A_310 = arith.constant 1 : i32
    %sub3A_311 = arith.subi %sub3A_310, %get3A_306 : i32
    %and3A_312 = arith.andi %and3A_303, %sub3A_311 : i32
    %and3A_313 = arith.andi %and3A_312, %get3A_309 : i32
    %or3A_314 = arith.ori %or3A_297, %and3A_313 : i32
    %sub3A_315 = arith.subi %get3A_306, %get3A_309 : i32
    %sub3A_316 = arith.subi %get3A_306, %get3A_309 : i32
    %mul3A_317 = arith.muli %sub3A_315, %sub3A_316 : i32
    %sub3A_318 = arith.constant 1 : i32
    %sub3A_319 = arith.subi %sub3A_318, %mul3A_317 : i32
    %and3A_320 = arith.andi %and3A_303, %sub3A_319 : i32
    %get3A_321 = arith.constant 19 : i32
    %get3A_322 = arith.index_cast %get3A_321 : i32 to index
    %get3A_323 = memref.load %arg3[%get3A_322] : memref<64xi32, #tpu.memory_space<smem>>
    %get3A_324 = arith.constant 51 : i32
    %get3A_325 = arith.index_cast %get3A_324 : i32 to index
    %get3A_326 = memref.load %arg3[%get3A_325] : memref<64xi32, #tpu.memory_space<smem>>
    %sub3A_327 = arith.constant 1 : i32
    %sub3A_328 = arith.subi %sub3A_327, %get3A_323 : i32
    %and3A_329 = arith.andi %and3A_320, %sub3A_328 : i32
    %and3A_330 = arith.andi %and3A_329, %get3A_326 : i32
    %or3A_331 = arith.ori %or3A_314, %and3A_330 : i32
    %sub3A_332 = arith.subi %get3A_323, %get3A_326 : i32
    %sub3A_333 = arith.subi %get3A_323, %get3A_326 : i32
    %mul3A_334 = arith.muli %sub3A_332, %sub3A_333 : i32
    %sub3A_335 = arith.constant 1 : i32
    %sub3A_336 = arith.subi %sub3A_335, %mul3A_334 : i32
    %and3A_337 = arith.andi %and3A_320, %sub3A_336 : i32
    %get3A_338 = arith.constant 20 : i32
    %get3A_339 = arith.index_cast %get3A_338 : i32 to index
    %get3A_340 = memref.load %arg3[%get3A_339] : memref<64xi32, #tpu.memory_space<smem>>
    %get3A_341 = arith.constant 52 : i32
    %get3A_342 = arith.index_cast %get3A_341 : i32 to index
    %get3A_343 = memref.load %arg3[%get3A_342] : memref<64xi32, #tpu.memory_space<smem>>
    %sub3A_344 = arith.constant 1 : i32
    %sub3A_345 = arith.subi %sub3A_344, %get3A_340 : i32
    %and3A_346 = arith.andi %and3A_337, %sub3A_345 : i32
    %and3A_347 = arith.andi %and3A_346, %get3A_343 : i32
    %or3A_348 = arith.ori %or3A_331, %and3A_347 : i32
    %sub3A_349 = arith.subi %get3A_340, %get3A_343 : i32
    %sub3A_350 = arith.subi %get3A_340, %get3A_343 : i32
    %mul3A_351 = arith.muli %sub3A_349, %sub3A_350 : i32
    %sub3A_352 = arith.constant 1 : i32
    %sub3A_353 = arith.subi %sub3A_352, %mul3A_351 : i32
    %and3A_354 = arith.andi %and3A_337, %sub3A_353 : i32
    %get3A_355 = arith.constant 21 : i32
    %get3A_356 = arith.index_cast %get3A_355 : i32 to index
    %get3A_357 = memref.load %arg3[%get3A_356] : memref<64xi32, #tpu.memory_space<smem>>
    %get3A_358 = arith.constant 53 : i32
    %get3A_359 = arith.index_cast %get3A_358 : i32 to index
    %get3A_360 = memref.load %arg3[%get3A_359] : memref<64xi32, #tpu.memory_space<smem>>
    %sub3A_361 = arith.constant 1 : i32
    %sub3A_362 = arith.subi %sub3A_361, %get3A_357 : i32
    %and3A_363 = arith.andi %and3A_354, %sub3A_362 : i32
    %and3A_364 = arith.andi %and3A_363, %get3A_360 : i32
    %or3A_365 = arith.ori %or3A_348, %and3A_364 : i32
    %sub3A_366 = arith.subi %get3A_357, %get3A_360 : i32
    %sub3A_367 = arith.subi %get3A_357, %get3A_360 : i32
    %mul3A_368 = arith.muli %sub3A_366, %sub3A_367 : i32
    %sub3A_369 = arith.constant 1 : i32
    %sub3A_370 = arith.subi %sub3A_369, %mul3A_368 : i32
    %and3A_371 = arith.andi %and3A_354, %sub3A_370 : i32
    %get3A_372 = arith.constant 22 : i32
    %get3A_373 = arith.index_cast %get3A_372 : i32 to index
    %get3A_374 = memref.load %arg3[%get3A_373] : memref<64xi32, #tpu.memory_space<smem>>
    %get3A_375 = arith.constant 54 : i32
    %get3A_376 = arith.index_cast %get3A_375 : i32 to index
    %get3A_377 = memref.load %arg3[%get3A_376] : memref<64xi32, #tpu.memory_space<smem>>
    %sub3A_378 = arith.constant 1 : i32
    %sub3A_379 = arith.subi %sub3A_378, %get3A_374 : i32
    %and3A_380 = arith.andi %and3A_371, %sub3A_379 : i32
    %and3A_381 = arith.andi %and3A_380, %get3A_377 : i32
    %or3A_382 = arith.ori %or3A_365, %and3A_381 : i32
    %sub3A_383 = arith.subi %get3A_374, %get3A_377 : i32
    %sub3A_384 = arith.subi %get3A_374, %get3A_377 : i32
    %mul3A_385 = arith.muli %sub3A_383, %sub3A_384 : i32
    %sub3A_386 = arith.constant 1 : i32
    %sub3A_387 = arith.subi %sub3A_386, %mul3A_385 : i32
    %and3A_388 = arith.andi %and3A_371, %sub3A_387 : i32
    %get3A_389 = arith.constant 23 : i32
    %get3A_390 = arith.index_cast %get3A_389 : i32 to index
    %get3A_391 = memref.load %arg3[%get3A_390] : memref<64xi32, #tpu.memory_space<smem>>
    %get3A_392 = arith.constant 55 : i32
    %get3A_393 = arith.index_cast %get3A_392 : i32 to index
    %get3A_394 = memref.load %arg3[%get3A_393] : memref<64xi32, #tpu.memory_space<smem>>
    %sub3A_395 = arith.constant 1 : i32
    %sub3A_396 = arith.subi %sub3A_395, %get3A_391 : i32
    %and3A_397 = arith.andi %and3A_388, %sub3A_396 : i32
    %and3A_398 = arith.andi %and3A_397, %get3A_394 : i32
    %or3A_399 = arith.ori %or3A_382, %and3A_398 : i32
    %sub3A_400 = arith.subi %get3A_391, %get3A_394 : i32
    %sub3A_401 = arith.subi %get3A_391, %get3A_394 : i32
    %mul3A_402 = arith.muli %sub3A_400, %sub3A_401 : i32
    %sub3A_403 = arith.constant 1 : i32
    %sub3A_404 = arith.subi %sub3A_403, %mul3A_402 : i32
    %and3A_405 = arith.andi %and3A_388, %sub3A_404 : i32
    %get3A_406 = arith.constant 24 : i32
    %get3A_407 = arith.index_cast %get3A_406 : i32 to index
    %get3A_408 = memref.load %arg3[%get3A_407] : memref<64xi32, #tpu.memory_space<smem>>
    %get3A_409 = arith.constant 56 : i32
    %get3A_410 = arith.index_cast %get3A_409 : i32 to index
    %get3A_411 = memref.load %arg3[%get3A_410] : memref<64xi32, #tpu.memory_space<smem>>
    %sub3A_412 = arith.constant 1 : i32
    %sub3A_413 = arith.subi %sub3A_412, %get3A_408 : i32
    %and3A_414 = arith.andi %and3A_405, %sub3A_413 : i32
    %and3A_415 = arith.andi %and3A_414, %get3A_411 : i32
    %or3A_416 = arith.ori %or3A_399, %and3A_415 : i32
    %sub3A_417 = arith.subi %get3A_408, %get3A_411 : i32
    %sub3A_418 = arith.subi %get3A_408, %get3A_411 : i32
    %mul3A_419 = arith.muli %sub3A_417, %sub3A_418 : i32
    %sub3A_420 = arith.constant 1 : i32
    %sub3A_421 = arith.subi %sub3A_420, %mul3A_419 : i32
    %and3A_422 = arith.andi %and3A_405, %sub3A_421 : i32
    %get3A_423 = arith.constant 25 : i32
    %get3A_424 = arith.index_cast %get3A_423 : i32 to index
    %get3A_425 = memref.load %arg3[%get3A_424] : memref<64xi32, #tpu.memory_space<smem>>
    %get3A_426 = arith.constant 57 : i32
    %get3A_427 = arith.index_cast %get3A_426 : i32 to index
    %get3A_428 = memref.load %arg3[%get3A_427] : memref<64xi32, #tpu.memory_space<smem>>
    %sub3A_429 = arith.constant 1 : i32
    %sub3A_430 = arith.subi %sub3A_429, %get3A_425 : i32
    %and3A_431 = arith.andi %and3A_422, %sub3A_430 : i32
    %and3A_432 = arith.andi %and3A_431, %get3A_428 : i32
    %or3A_433 = arith.ori %or3A_416, %and3A_432 : i32
    %sub3A_434 = arith.subi %get3A_425, %get3A_428 : i32
    %sub3A_435 = arith.subi %get3A_425, %get3A_428 : i32
    %mul3A_436 = arith.muli %sub3A_434, %sub3A_435 : i32
    %sub3A_437 = arith.constant 1 : i32
    %sub3A_438 = arith.subi %sub3A_437, %mul3A_436 : i32
    %and3A_439 = arith.andi %and3A_422, %sub3A_438 : i32
    %get3A_440 = arith.constant 26 : i32
    %get3A_441 = arith.index_cast %get3A_440 : i32 to index
    %get3A_442 = memref.load %arg3[%get3A_441] : memref<64xi32, #tpu.memory_space<smem>>
    %get3A_443 = arith.constant 58 : i32
    %get3A_444 = arith.index_cast %get3A_443 : i32 to index
    %get3A_445 = memref.load %arg3[%get3A_444] : memref<64xi32, #tpu.memory_space<smem>>
    %sub3A_446 = arith.constant 1 : i32
    %sub3A_447 = arith.subi %sub3A_446, %get3A_442 : i32
    %and3A_448 = arith.andi %and3A_439, %sub3A_447 : i32
    %and3A_449 = arith.andi %and3A_448, %get3A_445 : i32
    %or3A_450 = arith.ori %or3A_433, %and3A_449 : i32
    %sub3A_451 = arith.subi %get3A_442, %get3A_445 : i32
    %sub3A_452 = arith.subi %get3A_442, %get3A_445 : i32
    %mul3A_453 = arith.muli %sub3A_451, %sub3A_452 : i32
    %sub3A_454 = arith.constant 1 : i32
    %sub3A_455 = arith.subi %sub3A_454, %mul3A_453 : i32
    %and3A_456 = arith.andi %and3A_439, %sub3A_455 : i32
    %get3A_457 = arith.constant 27 : i32
    %get3A_458 = arith.index_cast %get3A_457 : i32 to index
    %get3A_459 = memref.load %arg3[%get3A_458] : memref<64xi32, #tpu.memory_space<smem>>
    %get3A_460 = arith.constant 59 : i32
    %get3A_461 = arith.index_cast %get3A_460 : i32 to index
    %get3A_462 = memref.load %arg3[%get3A_461] : memref<64xi32, #tpu.memory_space<smem>>
    %sub3A_463 = arith.constant 1 : i32
    %sub3A_464 = arith.subi %sub3A_463, %get3A_459 : i32
    %and3A_465 = arith.andi %and3A_456, %sub3A_464 : i32
    %and3A_466 = arith.andi %and3A_465, %get3A_462 : i32
    %or3A_467 = arith.ori %or3A_450, %and3A_466 : i32
    %sub3A_468 = arith.subi %get3A_459, %get3A_462 : i32
    %sub3A_469 = arith.subi %get3A_459, %get3A_462 : i32
    %mul3A_470 = arith.muli %sub3A_468, %sub3A_469 : i32
    %sub3A_471 = arith.constant 1 : i32
    %sub3A_472 = arith.subi %sub3A_471, %mul3A_470 : i32
    %and3A_473 = arith.andi %and3A_456, %sub3A_472 : i32
    %get3A_474 = arith.constant 28 : i32
    %get3A_475 = arith.index_cast %get3A_474 : i32 to index
    %get3A_476 = memref.load %arg3[%get3A_475] : memref<64xi32, #tpu.memory_space<smem>>
    %get3A_477 = arith.constant 60 : i32
    %get3A_478 = arith.index_cast %get3A_477 : i32 to index
    %get3A_479 = memref.load %arg3[%get3A_478] : memref<64xi32, #tpu.memory_space<smem>>
    %sub3A_480 = arith.constant 1 : i32
    %sub3A_481 = arith.subi %sub3A_480, %get3A_476 : i32
    %and3A_482 = arith.andi %and3A_473, %sub3A_481 : i32
    %and3A_483 = arith.andi %and3A_482, %get3A_479 : i32
    %or3A_484 = arith.ori %or3A_467, %and3A_483 : i32
    %sub3A_485 = arith.subi %get3A_476, %get3A_479 : i32
    %sub3A_486 = arith.subi %get3A_476, %get3A_479 : i32
    %mul3A_487 = arith.muli %sub3A_485, %sub3A_486 : i32
    %sub3A_488 = arith.constant 1 : i32
    %sub3A_489 = arith.subi %sub3A_488, %mul3A_487 : i32
    %and3A_490 = arith.andi %and3A_473, %sub3A_489 : i32
    %get3A_491 = arith.constant 29 : i32
    %get3A_492 = arith.index_cast %get3A_491 : i32 to index
    %get3A_493 = memref.load %arg3[%get3A_492] : memref<64xi32, #tpu.memory_space<smem>>
    %get3A_494 = arith.constant 61 : i32
    %get3A_495 = arith.index_cast %get3A_494 : i32 to index
    %get3A_496 = memref.load %arg3[%get3A_495] : memref<64xi32, #tpu.memory_space<smem>>
    %sub3A_497 = arith.constant 1 : i32
    %sub3A_498 = arith.subi %sub3A_497, %get3A_493 : i32
    %and3A_499 = arith.andi %and3A_490, %sub3A_498 : i32
    %and3A_500 = arith.andi %and3A_499, %get3A_496 : i32
    %or3A_501 = arith.ori %or3A_484, %and3A_500 : i32
    %sub3A_502 = arith.subi %get3A_493, %get3A_496 : i32
    %sub3A_503 = arith.subi %get3A_493, %get3A_496 : i32
    %mul3A_504 = arith.muli %sub3A_502, %sub3A_503 : i32
    %sub3A_505 = arith.constant 1 : i32
    %sub3A_506 = arith.subi %sub3A_505, %mul3A_504 : i32
    %and3A_507 = arith.andi %and3A_490, %sub3A_506 : i32
    %get3A_508 = arith.constant 30 : i32
    %get3A_509 = arith.index_cast %get3A_508 : i32 to index
    %get3A_510 = memref.load %arg3[%get3A_509] : memref<64xi32, #tpu.memory_space<smem>>
    %get3A_511 = arith.constant 62 : i32
    %get3A_512 = arith.index_cast %get3A_511 : i32 to index
    %get3A_513 = memref.load %arg3[%get3A_512] : memref<64xi32, #tpu.memory_space<smem>>
    %sub3A_514 = arith.constant 1 : i32
    %sub3A_515 = arith.subi %sub3A_514, %get3A_510 : i32
    %and3A_516 = arith.andi %and3A_507, %sub3A_515 : i32
    %and3A_517 = arith.andi %and3A_516, %get3A_513 : i32
    %or3A_518 = arith.ori %or3A_501, %and3A_517 : i32
    %sub3A_519 = arith.subi %get3A_510, %get3A_513 : i32
    %sub3A_520 = arith.subi %get3A_510, %get3A_513 : i32
    %mul3A_521 = arith.muli %sub3A_519, %sub3A_520 : i32
    %sub3A_522 = arith.constant 1 : i32
    %sub3A_523 = arith.subi %sub3A_522, %mul3A_521 : i32
    %and3A_524 = arith.andi %and3A_507, %sub3A_523 : i32
    %get3A_525 = arith.constant 31 : i32
    %get3A_526 = arith.index_cast %get3A_525 : i32 to index
    %get3A_527 = memref.load %arg3[%get3A_526] : memref<64xi32, #tpu.memory_space<smem>>
    %get3A_528 = arith.constant 63 : i32
    %get3A_529 = arith.index_cast %get3A_528 : i32 to index
    %get3A_530 = memref.load %arg3[%get3A_529] : memref<64xi32, #tpu.memory_space<smem>>
    %sub3A_531 = arith.constant 1 : i32
    %sub3A_532 = arith.subi %sub3A_531, %get3A_527 : i32
    %and3A_533 = arith.andi %and3A_524, %sub3A_532 : i32
    %and3A_534 = arith.andi %and3A_533, %get3A_530 : i32
    %or3A_535 = arith.ori %or3A_518, %and3A_534 : i32
    %sub3A_536 = arith.subi %get3A_527, %get3A_530 : i32
    %sub3A_537 = arith.subi %get3A_527, %get3A_530 : i32
    %mul3A_538 = arith.muli %sub3A_536, %sub3A_537 : i32
    %sub3A_539 = arith.constant 1 : i32
    %sub3A_540 = arith.subi %sub3A_539, %mul3A_538 : i32
    %and3A_541 = arith.andi %and3A_524, %sub3A_540 : i32
    %convert_element_type3A = arith.sitofp %or3A_535 : i32 to f32
    %swap3A = arith.constant 0 : i32
    %swap3A_542 = arith.index_cast %swap3A : i32 to index
    %swap3A_543 = memref.load %arg4[%swap3A_542] : memref<1xf32, #tpu.memory_space<smem>>
    memref.store %convert_element_type3A, %arg4[%swap3A_542] : memref<1xf32, #tpu.memory_space<smem>>
    "tpu.region"() ({
      %run_scoped3A = tpu.sem_alloc : memref<!tpu.dma_semaphore, #tpu.memory_space<semaphore_mem>>
      tpu.enqueue_dma source(%arg4 : memref<1xf32, #tpu.memory_space<smem>>) target(%arg2 : memref<1xf32, #tpu.memory_space<hbm>>) target_semaphore(%run_scoped3A : memref<!tpu.dma_semaphore, #tpu.memory_space<semaphore_mem>>)
      tpu.wait_dma2 semaphore(%run_scoped3A : memref<!tpu.dma_semaphore, #tpu.memory_space<semaphore_mem>>) src(%arg4 : memref<1xf32, #tpu.memory_space<smem>>) dst(%arg2 : memref<1xf32, #tpu.memory_space<hbm>>)
      tpu.yield
    }) : () -> ()
    return
  }
}

</mosaic_0001>

<sc_bundles>
// kernel: kernel.3.cloned.1.call-start
scs
__scs_entry_jumppad:
0x0: {  	(pc) =	sbr.rel $0x88, $3  }
0x1: {  	(tag) =	ssettag $0x0;
	lr =	simm.s32 $0x1  }
0x2: {  	[smem:$0x3F9F] =	sst lr;
	_ =	strace $0xD0000000  }
0x3: {  	_ = 	snop  }
0x4: {  	_ = 	snop  }
0x5: {  	_ = 	snop  }
0x6: {  	_ = 	snop  }
0x7: {  	_ = 	snop  }
__scs_overlays_trampoline_lowered:
0x8: {  	[smem:$0x3FAE] =	sst s0  }
0x9: {  	[smem:$0x3FAF] =	sst s1  }
0xa: {  	[smem:$0x3FB0] =	sst s2  }
0xb: {  	[smem:$0x3FB1] =	sst s3  }
0xc: {  	[smem:$0x3FB2] =	sst s4  }
0xd: {  	[smem:$0x3FB3] =	sst s5  }
0xe: {  	[smem:$0x3FB4] =	sst s6  }
0xf: {  	[smem:$0x3FB5] =	sst s7  }
0x10: {  	[smem:$0x3FB6] =	sst s8  }
0x11: {  	[smem:$0x3FB7] =	sst s9;
	s0 =	simm.s32 @!p0 $0x0  }
0x12: {  	s1 =	sld [smem:$0x3F9D];
	s0 =	simm.s32 @p0 $0x1  }
0x13: {  	[smem:$0x3FB8] =	sst s0;
	s0 =	simm.s32 @!p1 $0x0  }
0x14: {  	s2 =	sld [smem:$0x3F9C];
	s0 =	simm.s32 @p1 $0x1  }
0x15: {  	[smem:$0x3FB9] =	sst s0;
	s0 =	simm.s32 @!p2 $0x0  }
0x16: {  	s3 =	sld [smem:$0x3FDB];
	s0 =	simm.s32 @p2 $0x1  }
0x17: {  	s4 =	simm.s32 $0x1BF5;
	[smem:$0x3FBB] =	sst s0  }
0x18: {  	s0 =	sld [smem:$0x3F9E];
	_ =	swait.ge [sflag:s4], $0x0  }
0x19: {  	s7 =	sld [smem:$0x3F9F]  }
0x1a: {  	s8 =	sadd.s32 $0xFFFFE003, lr  }
0x1b: {  	s9 =	sadd.s32 $0xFFFFFEF7, lr;
	s5 =	simm.s32 $0xFFFFFFFF;
	p2 =	slt.u32 s8, $0xFFFFF086  }
0x1c: {  	p1 =	slt.u32 s9, $0xF7A;
	s5 =	simm.s32 @!p2 $0x0  }
0x1d: {  	s5 =	simm.s32 @p1 $0x1;
	p0 =	seq.s32 s7, s2  }
0x1e: {  	s7 =	smul.u32 @!p0 $0xF7A, s2;
	p2 =	seq.s32 @!p0 s5, $0x0  }
0x1f: {  	s9 =	smul.u32 $0xF7A, s1;
	s8 =	simm.s32 @!p0 $0x1BF5;
	p2 =	por !p2, p0  }
0x20: {  	[sflag:s8] =	ssyncset.s32 @!p0 $0xFFFFF086;
	s6 =	sadd.s32 @!p0 s3, s7;
	s7 =	simm.s32 @!p0 $0x108  }
0x21: {  	s3 =	sadd.s32 s3, s9;
	s6 =	sadd.s32 @!p0 $0x88, s6;
	s7 =	simm.s32 @p2 $0x1082  }
0x22: {  	[simem:s7], [sflag:s8] =	dma.local @!p0 [hbm:s6], $0xF7A  }
0x23: {  	s9 =	sor.u32 $0xD0000000, s2;
	s6 =	simm.s32 $0x108;
	_ =	swait.ge @!p0 [sflag:s8], $0x0  }
0x24: {  	s3 =	sadd.s32 $0x88, s3;
	s6 =	simm.s32 @!p1 $0x1082;
	[sflag:s4] =	ssyncset.s32 $0xFFFFF086  }
0x25: {  	[simem:s6], [sflag:s4] =	dma.local [hbm:s3], $0xF7A  }
0x26: {  	[smem:$0x3F9F] =	sst s1;
	(tag) =	ssettag s2;
	_ =	strace s9  }
0x27: {  	s1 =	sld [smem:$0x3FAF]  }
0x28: {  	s2 =	sld [smem:$0x3FB0]  }
0x29: {  	s4 =	sld [smem:$0x3FB2]  }
0x2a: {  	p0 =	seq.s32 s5, $0x0;
	s5 =	sld [smem:$0x3FB3]  }
0x2b: {  	s6 =	sld [smem:$0x3FB4]  }
0x2c: {  	s7 =	sld [smem:$0x3FB5]  }
0x2d: {  	s3 =	simm.s32 $0x108;
	s8 =	sld [smem:$0x3FB6]  }
0x2e: {  	s3 =	simm.s32 @!p0 $0x1082;
	s9 =	sld [smem:$0x3FB7]  }
0x2f: {  	lr =	sadd.s32 s0, s3;
	s0 =	sld [smem:$0x3FAE]  }
0x30: {  	s3 =	sld [smem:$0x3FB1]  }
0x31: {  	[smem:$0x3FBA] =	sst s10  }
0x32: {  	s10 =	sld [smem:$0x3FB8];
	_ =	sdelay $0x3  }
0x33: {  	p0 =	seq.s32 s10, $0x1;
	s10 =	sld [smem:$0x3FBA];
	_ =	sdelay $0x3  }
0x34: {  	[smem:$0x3FBA] =	sst s10  }
0x35: {  	s10 =	sld [smem:$0x3FB9];
	_ =	sdelay $0x3  }
0x36: {  	p1 =	seq.s32 s10, $0x1;
	s10 =	sld [smem:$0x3FBA];
	_ =	sdelay $0x3  }
0x37: {  	[smem:$0x3FBA] =	sst s10  }
0x38: {  	s10 =	sld [smem:$0x3FBB]  }
0x39: {  	_ = 	snop;
	(pc) =	sbr.ind lr, $3  }
0x3a: {  	_ = 	snop  }
0x3b: {  	_ = 	snop  }
0x3c: {  	p2 =	seq.s32 s10, $0x1;
	s10 =	sld [smem:$0x3FBA]  }
0x3d: {  	_ =	shalt  }
0x3e: {  	_ =	shalt  }
0x3f: {  	_ =	shalt  }
0x40: {  	_ =	shalt  }
0x41: {  	_ =	shalt  }
0x42: {  	_ =	shalt  }
0x43: {  	_ =	shalt  }
0x44: {  	_ =	shalt  }
0x45: {  	_ =	shalt  }
0x46: {  	_ =	shalt  }
0x47: {  	_ =	shalt  }
0x48: {  	_ =	shalt  }
0x49: {  	_ =	shalt  }
0x4a: {  	_ =	shalt  }
0x4b: {  	_ =	shalt  }
0x4c: {  	_ =	shalt  }
0x4d: {  	_ =	shalt  }
0x4e: {  	_ =	shalt  }
0x4f: {  	_ =	shalt  }
0x50: {  	_ =	shalt  }
0x51: {  	_ =	shalt  }
0x52: {  	_ =	shalt  }
0x53: {  	_ =	shalt  }
0x54: {  	_ =	shalt  }
0x55: {  	_ =	shalt  }
0x56: {  	_ =	shalt  }
0x57: {  	_ =	shalt  }
0x58: {  	_ =	shalt  }
0x59: {  	_ =	shalt  }
0x5a: {  	_ =	shalt  }
0x5b: {  	_ =	shalt  }
0x5c: {  	_ =	shalt  }
0x5d: {  	_ =	shalt  }
0x5e: {  	_ =	shalt  }
0x5f: {  	_ =	shalt  }
0x60: {  	_ =	shalt  }
0x61: {  	_ =	shalt  }
0x62: {  	_ =	shalt  }
0x63: {  	_ =	shalt  }
0x64: {  	_ =	shalt  }
0x65: {  	_ =	shalt  }
0x66: {  	_ =	shalt  }
0x67: {  	_ =	shalt  }
0x68: {  	_ =	shalt  }
0x69: {  	_ =	shalt  }
0x6a: {  	_ =	shalt  }
0x6b: {  	_ =	shalt  }
0x6c: {  	_ =	shalt  }
0x6d: {  	_ =	shalt  }
0x6e: {  	_ =	shalt  }
0x6f: {  	_ =	shalt  }
0x70: {  	_ =	shalt  }
0x71: {  	_ =	shalt  }
0x72: {  	_ =	shalt  }
0x73: {  	_ =	shalt  }
0x74: {  	_ =	shalt  }
0x75: {  	_ =	shalt  }
0x76: {  	_ =	shalt  }
0x77: {  	_ =	shalt  }
0x78: {  	_ =	shalt  }
0x79: {  	_ =	shalt  }
0x7a: {  	_ =	shalt  }
0x7b: {  	_ =	shalt  }
0x7c: {  	_ =	shalt  }
0x7d: {  	_ =	shalt  }
0x7e: {  	_ =	shalt  }
0x7f: {  	_ =	shalt  }
0x80: {  	_ =	shalt  }
0x81: {  	_ =	shalt  }
0x82: {  	_ =	shalt  }
0x83: {  	_ =	shalt  }
0x84: {  	_ =	shalt  }
0x85: {  	_ =	shalt  }
0x86: {  	_ =	shalt  }
0x87: {  	_ =	shalt  }
.Lfunc_end0:
.L_simem_size_0:
called_computation_lowered:
.L_overlay_start_0:
0x88: {  	s0 =	sld [smem:$0x3FD9]  }
0x89: {  	s1 =	sld [smem:$0x3FFE];
	_ =	sdelay $0x3  }
0x8a: {  	s0 =	sadd.s32 s1, s0  }
0x8b: {  	[smem:$0x3FC6] =	sst s0  }
0x8c: {  	_ = 	snop  }
0x8d: {  	s0 =	sld [smem:$0x3FD0];
	(tm) =	ssettm $0x1  }
0x8e: {  	s15 =	sld [smem:$0x3FFB];
	_ =	sdelay $0x3  }
0x8f: {  	_ =	strace s15  }
0x90: {  	s1 =	sld [smem:$0x3FFC];
	_ =	sdelay $0x3  }
0x91: {  	_ =	strace s1  }
0x92: {  	s1 =	sld [smem:$0x3FFD];
	_ =	sdelay $0x3  }
0x93: {  	_ =	strace s1  }
0x94: {  	s16 =	simm.s32 $0x1B8B;
	_ =	strace $0x8FFFFFFF  }
0x95: {  	_ =	swait.ge [sflag:s16], $0x1  }
0x96: {  	s2 =	sld [smem:$0x3FFE]  }
0x97: {  	[sflag:s16] =	ssyncset.done $0x0  }
0x98: {  	s17 =	simm.s32 $0x1B8E;
	[sflag:s16] =	ssyncadd.s32 $0xFFFFFFFF  }
0x99: {  	s3 =	simm.s32 $0x10;
	[smem:$0x3FD2] =	sst s17  }
0x9a: {  	s1 =	simm.s32 $0x9;
	_ =	strace $0x80000046;
	s2 =	sadd.s32 $0x800, s2  }
0x9b: {  	[smem:s3], [sflag:s1] =	dma.local [hbm:s2], $0x10  }
0x9c: {  	_ =	swait.ge [sflag:s1], $0x10  }
0x9d: {  	[sflag:s1] =	ssyncset.done $0x0  }
0x9e: {  	[sflag:s1] =	ssyncadd.s32 $0xFFFFFFF0  }
0x9f: {  	s2 =	sld [smem:$0x1B]  }
0xa0: {  	s3 =	sld [smem:$0x3B]  }
0xa1: {  	s4 =	sld [smem:$0x21]  }
0xa2: {  	s5 =	sld [smem:$0x41]  }
0xa3: {  	s6 =	sld [smem:$0x26]  }
0xa4: {  	s7 =	sld [smem:$0x29]  }
0xa5: {  	s8 =	sld [smem:$0x2C]  }
0xa6: {  	s9 =	sld [smem:$0x2E]  }
0xa7: {  	s10 =	sld [smem:$0x4E]  }
0xa8: {  	s11 =	sld [smem:$0x2F]  }
0xa9: {  	s12 =	sld [smem:$0x4F]  }
0xaa: {  	s13 =	sld [smem:$0x2D]  }
0xab: {  	s14 =	sld [smem:$0x4D]  }
0xac: {  	s16 =	sld [smem:$0x4C]  }
0xad: {  	s17 =	sld [smem:$0x2B]  }
0xae: {  	s20 =	sld [smem:$0x4B]  }
0xaf: {  	s21 =	sld [smem:$0x2A]  }
0xb0: {  	s22 =	sld [smem:$0x4A]  }
0xb1: {  	s24 =	sld [smem:$0x49]  }
0xb2: {  	s25 =	sld [smem:$0x28]  }
0xb3: {  	s30 =	sld [smem:$0x48]  }
0xb4: {  	s31 =	sld [smem:$0x27];
	s15 =	ssub.s32 s9, s10  }
0xb5: {  	s11 =	ssub.s32 $0x1, s11;
	s18 =	ssub.s32 $0x1, s8;
	s9 =	ssub.s32 $0x1, s9  }
0xb6: {  	s19 =	ssub.s32 s13, s14;
	s8 =	ssub.s32 s8, s16;
	s13 =	ssub.s32 $0x1, s13  }
0xb7: {  	s23 =	ssub.s32 s17, s20;
	s26 =	ssub.s32 $0x1, s7;
	s15 =	smul.u32 s15, s15  }
0xb8: {  	s28 =	ssub.s32 $0x1, s17;
	s9 =	sand.u32 s9, s10;
	s10 =	smul.u32 s19, s19  }
0xb9: {  	s29 =	ssub.s32 s21, s22;
	s7 =	ssub.s32 s7, s24;
	s8 =	smul.u32 s8, s8  }
0xba: {  	s11 =	sand.u32 s11, s12;
	s12 =	sand.u32 s18, s16;
	s16 =	smul.u32 s29, s29  }
0xbb: {  	s13 =	sand.u32 s13, s14;
	s7 =	smul.u32 s7, s7;
	s18 =	sld [smem:$0x47]  }
0xbc: {  	s19 =	ssub.s32 s25, s30;
	s15 =	ssub.s32 $0x1, s15;
	s10 =	ssub.s32 $0x1, s10  }
0xbd: {  	s8 =	ssub.s32 $0x1, s8;
	s17 =	ssub.s32 $0x1, s16;
	s16 =	sld [smem:$0x22]  }
0xbe: {  	s11 =	sand.u32 s15, s11;
	s15 =	sand.u32 s28, s20;
	s20 =	sld [smem:$0x46]  }
0xbf: {  	s7 =	ssub.s32 $0x1, s7;
	s28 =	sld [smem:$0x44];
	s9 =	sor.u32 s11, s9  }
0xc0: {  	s11 =	ssub.s32 $0x1, s21;
	s21 =	sld [smem:$0x25];
	s9 =	sand.u32 s9, s10  }
0xc1: {  	s10 =	smul.u32 s23, s23;
	s11 =	sand.u32 s11, s22;
	s9 =	sor.u32 s9, s13  }
0xc2: {  	s22 =	ssub.s32 $0x1, s6;
	s23 =	ssub.s32 s31, s18;
	s8 =	sand.u32 s9, s8  }
0xc3: {  	s10 =	ssub.s32 $0x1, s10;
	s9 =	ssub.s32 $0x1, s25;
	s25 =	sld [smem:$0x24]  }
0xc4: {  	s8 =	sor.u32 s8, s12;
	s12 =	sand.u32 s26, s24;
	s24 =	sld [smem:$0x45]  }
0xc5: {  	s6 =	ssub.s32 s6, s20;
	s9 =	sand.u32 s9, s30;
	s30 =	sld [smem:$0x23]  }
0xc6: {  	s6 =	smul.u32 s6, s6;
	s26 =	ssub.s32 $0x1, s31;
	s31 =	sld [smem:$0x43]  }
0xc7: {  	s8 =	sand.u32 s8, s10;
	s10 =	smul.u32 s23, s23;
	s23 =	sld [smem:$0x3C]  }
0xc8: {  	s8 =	sor.u32 s8, s15;
	s15 =	smul.u32 s19, s19;
	s6 =	ssub.s32 $0x1, s6  }
0xc9: {  	s19 =	ssub.s32 $0x1, s2;
	s2 =	ssub.s32 s2, s3;
	s8 =	sand.u32 s8, s17  }
0xca: {  	s10 =	ssub.s32 $0x1, s10;
	s14 =	ssub.s32 s25, s28;
	s17 =	sld [smem:$0x42]  }
0xcb: {  	s8 =	sor.u32 s8, s11;
	s15 =	ssub.s32 $0x1, s15;
	s11 =	sand.u32 s26, s18  }
0xcc: {  	s18 =	ssub.s32 s30, s31;
	s26 =	sld [smem:$0x3F];
	s7 =	sand.u32 s8, s7  }
0xcd: {  	s8 =	ssub.s32 $0x1, s21;
	s13 =	smul.u32 s18, s18;
	s18 =	sld [smem:$0x3D]  }
0xce: {  	s7 =	sor.u32 s7, s12;
	s12 =	sand.u32 s22, s20;
	s20 =	sld [smem:$0x20]  }
0xcf: {  	s29 =	ssub.s32 s21, s24;
	s8 =	sand.u32 s8, s24;
	s22 =	sld [smem:$0x40]  }
0xd0: {  	s24 =	sld [smem:$0x1F];
	s7 =	sand.u32 s7, s15;
	s15 =	ssub.s32 $0x1, s4  }
0xd1: {  	s4 =	ssub.s32 s4, s5;
	s13 =	ssub.s32 $0x1, s13;
	s21 =	ssub.s32 s16, s17  }
0xd2: {  	s7 =	sor.u32 s7, s9;
	s9 =	ssub.s32 $0x1, s25;
	s25 =	smul.u32 s4, s4  }
0xd3: {  	s4 =	sand.u32 s19, s3;
	s7 =	sand.u32 s7, s10;
	s10 =	smul.u32 s29, s29  }
0xd4: {  	s9 =	sand.u32 s9, s28;
	s7 =	sor.u32 s7, s11;
	s11 =	ssub.s32 $0x1, s30  }
0xd5: {  	s28 =	ssub.s32 s20, s22;
	s29 =	ssub.s32 $0x1, s25;
	s30 =	sld [smem:$0x1E]  }
0xd6: {  	s25 =	sld [smem:$0x3A];
	s6 =	sand.u32 s7, s6;
	s10 =	ssub.s32 $0x1, s10  }
0xd7: {  	s7 =	sand.u32 s11, s31;
	s11 =	smul.u32 s21, s21;
	s31 =	sld [smem:$0x3E]  }
0xd8: {  	s21 =	sld [smem:$0x34];
	s6 =	sor.u32 s6, s12;
	s12 =	smul.u32 s14, s14  }
0xd9: {  	s14 =	ssub.s32 $0x1, s16;
	s6 =	sand.u32 s6, s10;
	s10 =	sand.u32 s15, s5  }
0xda: {  	s5 =	sld [smem:$0x1C];
	s11 =	ssub.s32 $0x1, s11;
	s15 =	ssub.s32 s24, s26  }
0xdb: {  	s6 =	sor.u32 s6, s8;
	s12 =	ssub.s32 $0x1, s12;
	s8 =	sand.u32 s14, s17  }
0xdc: {  	s17 =	sld [smem:$0x1D];
	s6 =	sand.u32 s6, s12;
	s19 =	ssub.s32 s30, s31  }
0xdd: {  	s12 =	ssub.s32 $0x1, s30;
	s6 =	sor.u32 s6, s9;
	s9 =	ssub.s32 $0x1, s20  }
0xde: {  	s20 =	sld [smem:$0x14];
	s3 =	sand.u32 s12, s31;
	s6 =	sand.u32 s6, s13  }
0xdf: {  	s9 =	sand.u32 s9, s22;
	s16 =	ssub.s32 $0x1, s5;
	s5 =	ssub.s32 s5, s23  }
0xe0: {  	s6 =	sor.u32 s6, s7;
	s7 =	ssub.s32 $0x1, s24;
	s5 =	smul.u32 s5, s5  }
0xe1: {  	s22 =	ssub.s32 s17, s18;
	s6 =	sand.u32 s6, s11;
	s11 =	smul.u32 s19, s19  }
0xe2: {  	s24 =	sld [smem:$0x1A];
	s7 =	sand.u32 s7, s26;
	s12 =	smul.u32 s22, s22  }
0xe3: {  	s26 =	sld [smem:$0x19];
	s6 =	sor.u32 s6, s8;
	s8 =	smul.u32 s28, s28  }
0xe4: {  	s13 =	ssub.s32 $0x1, s17;
	s19 =	sld [smem:$0x37];
	s28 =	smul.u32 s2, s2  }
0xe5: {  	s5 =	ssub.s32 $0x1, s5;
	s6 =	sand.u32 s6, s29;
	s11 =	ssub.s32 $0x1, s11  }
0xe6: {  	s12 =	ssub.s32 $0x1, s12;
	s29 =	sld [smem:$0x39];
	s6 =	sor.u32 s6, s10  }
0xe7: {  	s8 =	ssub.s32 $0x1, s8;
	s10 =	smul.u32 s15, s15;
	s30 =	ssub.s32 s24, s25  }
0xe8: {  	s15 =	sld [smem:$0x38];
	s6 =	sand.u32 s6, s8;
	s8 =	sand.u32 s16, s23  }
0xe9: {  	s23 =	sld [smem:$0x18];
	s6 =	sor.u32 s6, s9;
	s10 =	ssub.s32 $0x1, s10  }
0xea: {  	s31 =	ssub.s32 $0x1, s28;
	s16 =	sld [smem:$0x17];
	s6 =	sand.u32 s6, s10  }
0xeb: {  	s9 =	sand.u32 s13, s18;
	s13 =	ssub.s32 $0x1, s24;
	s6 =	sor.u32 s6, s7  }
0xec: {  	s10 =	sxor.u32 $0xFFFFFFFF, s20;
	s20 =	sld [smem:$0x36];
	s6 =	sand.u32 s6, s11  }
0xed: {  	s18 =	ssub.s32 s26, s29;
	s7 =	sld [smem:$0x16];
	s3 =	sor.u32 s6, s3  }
0xee: {  	s2 =	sand.u32 s10, s21;
	s10 =	sadd.s32 s10, s21;
	s3 =	sand.u32 s3, s12  }
0xef: {  	s21 =	ssub.s32 $0x1, s26;
	s17 =	ssub.s32 $0x1, s23;
	s3 =	sor.u32 s3, s9  }
0xf0: {  	s24 =	ssub.s32 s16, s19;
	s28 =	ssub.s32 $0x1, s16;
	s3 =	sand.u32 s3, s5  }
0xf1: {  	s16 =	sld [smem:$0x32];
	s3 =	sor.u32 s3, s8;
	s8 =	smul.u32 s30, s30  }
0xf2: {  	s6 =	sand.u32 s13, s25;
	s13 =	smul.u32 s18, s18;
	s3 =	sand.u32 s3, s31  }
0xf3: {  	s25 =	sld [smem:$0x35];
	s3 =	sor.u32 s3, s4;
	s8 =	ssub.s32 $0x1, s8  }
0xf4: {  	s9 =	ssub.s32 s23, s15;
	s22 =	ssub.s32 $0x1, s13;
	s3 =	sand.u32 s3, s8  }
0xf5: {  	s23 =	sld [smem:$0x15];
	s9 =	smul.u32 s9, s9;
	s3 =	sor.u32 s3, s6  }
0xf6: {  	s26 =	ssub.s32 $0x1, s7;
	s5 =	sand.u32 s21, s29;
	s3 =	sand.u32 s3, s22  }
0xf7: {  	s9 =	ssub.s32 $0x1, s9;
	s3 =	sor.u32 s3, s5;
	s5 =	smul.u32 s24, s24  }
0xf8: {  	s7 =	ssub.s32 s7, s20;
	s4 =	sand.u32 s17, s15;
	s3 =	sand.u32 s3, s9  }
0xf9: {  	s7 =	smul.u32 s7, s7;
	s3 =	sor.u32 s3, s4;
	s5 =	ssub.s32 $0x1, s5  }
0xfa: {  	s13 =	sld [smem:$0x10];
	s29 =	sand.u32 s28, s19;
	s3 =	sand.u32 s3, s5  }
0xfb: {  	s30 =	sld [smem:$0x13];
	s7 =	ssub.s32 $0x1, s7;
	s3 =	sor.u32 s3, s29  }
0xfc: {  	s12 =	sxor.u32 $0xFFFFFFFF, s23;
	s4 =	sand.u32 s26, s20;
	s3 =	sand.u32 s3, s7  }
0xfd: {  	s31 =	sld [smem:$0x33];
	s14 =	sadd.s32 s12, s25;
	s3 =	sor.u32 s3, s4  }
0xfe: {  	s15 =	sld [smem:$0x12];
	s8 =	sand.u32 s12, s25;
	s3 =	sand.u32 s3, s14  }
0xff: {  	s19 =	sld [smem:$0x31];
	s3 =	sor.u32 s3, s8  }
0x100: {  	s17 =	sld [smem:$0x11];
	s5 =	sxor.u32 $0xFFFFFFFF, s30;
	s3 =	sand.u32 s3, s10  }
0x101: {  	s18 =	sand.u32 s5, s31;
	s5 =	sadd.s32 s5, s31;
	s2 =	sor.u32 s3, s2  }
0x102: {  	s21 =	sxor.u32 $0xFFFFFFFF, s15;
	s20 =	sld [smem:$0x30];
	s2 =	sand.u32 s2, s5  }
0x103: {  	s9 =	sadd.s32 s21, s16;
	s2 =	sor.u32 s2, s18  }
0x104: {  	s22 =	sxor.u32 $0xFFFFFFFF, s17;
	s4 =	sand.u32 s21, s16;
	s2 =	sand.u32 s2, s9  }
0x105: {  	s23 =	sadd.s32 s22, s19;
	s2 =	sor.u32 s2, s4  }
0x106: {  	s24 =	ssub.s32 s13, s20;
	s3 =	sand.u32 s22, s19;
	s2 =	sand.u32 s2, s23  }
0x107: {  	s25 =	sxor.u32 $0xFFFFFFFF, s13;
	s4 =	sxor.u32 $0xFFFFFFFF, s24;
	s2 =	sor.u32 s2, s3  }
0x108: {  	s3 =	sand.u32 s20, s25;
	s2 =	sand.u32 s2, s4  }
0x109: {  	s2 =	sor.u32 s3, s2  }
0x10a: {  	s2 =	sand.u32 $0x1, s2  }
0x10b: {  	s2 =	scvt.s32.f32 s2;
	_ =	sdelay $0x1  }
0x10c: {  	s26 =	simm.s32 $0x90;
	[smem:$0x90] =	sst s2  }
0x10d: {  	[hbm:s0], [sflag:s1] =	dma.local [smem:s26], $0x10  }
0x10e: {  	_ =	swait.ge [sflag:s1], $0x10  }
0x10f: {  	[sflag:s1] =	ssyncset.done $0x0  }
0x110: {  	[sflag:s1] =	ssyncadd.s32 $0xFFFFFFF0  }
0x111: {  	_ =	strace $0x90000046  }
0x112: {  	_ =	sfence  }
0x113: {  	s28 =	sld [smem:$0x0];
	_ =	sdelay $0x1  }
0x114: {  	s29 =	srdreg.scid  }
0x115: {  	s30 =	sshll.u32 s29, $0xD;
	s31 =	sshrl.u32 s29, $0x2  }
0x116: {  	s2 =	sand.u32 $0x4000, s30;
	s1 =	sand.u32 $0x1, s29;
	s0 =	sadd.s32 s31, s28  }
0x117: {  	s1 =	sor.u32 s2, s1;
	s0 =	sshll.u32 s0, $0x11  }
0x118: {  	s0 =	sor.u32 s0, s1  }
0x119: {  	s0 =	sadd.s32 $0x8F2B, s0;
	(pc) =	sbr.abs _section_cstart, $3  }
0x11a: {  	[sflag:s0] =	ssyncadd.remote.s32 $0x1  }
0x11b: {  	_ =	strace $0x9FFFFFFF  }
0x11c: {  	(tm) =	ssettm $0x7FFFFFFF  }
0x11d: {  	_ =	shalt  }

</sc_bundles>
